<compile_context>
chip_gen: v7x
topology: tpu7x:2x2x1
jax: 0.10.2.dev20260603
libtpu: 0.0.44.dev20260713+nightly
codegen_flags: <defaults>
</compile_context>

<pallas_src>
import functools
import math

import jax
import jax.numpy as jnp
from jax import lax
from jax.experimental import pallas as pl
from jax.experimental.pallas import tpu as pltpu
from jax.experimental.pallas import tpu_sc as plsc

_NUM_CLASSES = 1000
_TEMPERATURE = 0.5
_THRESHOLD = 0.95
_WARMUP = 1000
_ITERATION = 0
_BATCH = 16384
_NUM_SAMPLES = 1000000

_CA = (-math.log(_THRESHOLD)
       + (math.log(_NUM_CLASSES) + math.log(_THRESHOLD))
       * 0.5 * (1 + math.cos(_ITERATION / _WARMUP * math.pi)))
_TAU = math.exp(-_CA) if _ITERATION < _WARMUP else _THRESHOLD

_NW = 32
_HW = 1024
_LANES = 16
_MAIN = 31248
_TAIL = _NUM_SAMPLES - _NW * _MAIN
_RPW = _BATCH // _NW


def _sc_hist_body(y_hbm, out_hbm, yv, hv, htot):
    c = lax.axis_index("c")
    s = lax.axis_index("s")
    wid = s * 2 + c
    pltpu.sync_copy(y_hbm.at[pl.ds(wid * _MAIN, _MAIN)], yv.at[pl.ds(0, _MAIN)])

    @pl.when(wid == 0)
    def _():
        pltpu.sync_copy(y_hbm.at[pl.ds(_NW * _MAIN, _TAIL)],
                        yv.at[pl.ds(_MAIN, _TAIL)])

    zeros = jnp.zeros((16,), jnp.float32)

    def zbody(i, carry):
        hv[pl.ds(i * 16, 16)] = zeros
        return carry

    lax.fori_loop(0, _LANES * _HW // 16, zbody, 0)

    lane_off = lax.iota(jnp.int32, 16) * _HW
    ones = jnp.ones((16,), jnp.float32)

    def body(i, carry):
        v = yv[pl.ds(i * 16, 16)]
        v = jnp.minimum(jnp.maximum(v, 0), _HW - 1)
        plsc.addupdate_scatter(hv, [lane_off + v], ones)
        return carry

    lax.fori_loop(0, _MAIN // 16, body, 0)

    @pl.when(wid == 0)
    def _():
        lax.fori_loop(_MAIN // 16, (_MAIN + _TAIL) // 16, body, 0)

    def rbody(g, carry):
        acc = zeros
        for l in range(_LANES):
            acc = acc + hv[pl.ds(l * _HW + g * 16, 16)]
        htot[pl.ds(g * 16, 16)] = acc
        return carry

    lax.fori_loop(0, _HW // 16, rbody, 0)
    pltpu.sync_copy(htot, out_hbm.at[wid])


@functools.lru_cache(maxsize=1)
def _sc_hist():
    return pl.kernel(
        _sc_hist_body,
        out_type=jax.ShapeDtypeStruct((_NW, _HW), jnp.float32),
        mesh=plsc.VectorSubcoreMesh(core_axis_name="c", subcore_axis_name="s"),
        scratch_types=[
            pltpu.VMEM((_MAIN + _TAIL,), jnp.int32),
            pltpu.VMEM((_LANES * _HW,), jnp.float32),
            pltpu.VMEM((_HW,), jnp.float32),
        ],
        compiler_params=pltpu.CompilerParams(needs_layout_passes=False),
    )


_CB = 2048
_GRID = _BATCH // _CB


def _tc_stats_body(w_ref, s_ref, loss_ref, conf_ref, y_ref):
    w = w_ref[...]
    s = s_ref[...]
    inv_t = 1.0 / _TEMPERATURE

    ones_row = jnp.ones((1, _NUM_CLASSES), jnp.float32)
    dims = (((1,), (0,)), ((), ()))

    mw = jnp.max(w, axis=0, keepdims=True)
    ew = jnp.exp((w - mw) * inv_t)
    se = lax.dot_general(ones_row, ew, dims,
                         preferred_element_type=jnp.float32)
    conf_ref[...] = 1.0 / se

    iota = lax.broadcasted_iota(jnp.int32, (_NUM_CLASSES, _CB), 0)
    y = jnp.min(jnp.where(w == mw, iota, _NUM_CLASSES), axis=0, keepdims=True)
    y_ref[...] = y
    sel = iota == y
    pick = lax.dot_general(ones_row, jnp.where(sel, s, 0.0), dims,
                           preferred_element_type=jnp.float32)

    ms = jnp.max(s, axis=0, keepdims=True)
    es = jnp.exp(s - ms)
    ss = lax.dot_general(ones_row, es, dims,
                         preferred_element_type=jnp.float32)
    loss_ref[...] = jnp.log(ss) + ms - pick


_tc_stats = pl.pallas_call(
    _tc_stats_body,
    grid=(_GRID,),
    in_specs=[
        pl.BlockSpec((_NUM_CLASSES, _CB), lambda i: (0, i)),
        pl.BlockSpec((_NUM_CLASSES, _CB), lambda i: (0, i)),
    ],
    out_specs=[
        pl.BlockSpec((1, _CB), lambda i: (0, i)),
        pl.BlockSpec((1, _CB), lambda i: (0, i)),
        pl.BlockSpec((1, _CB), lambda i: (0, i)),
    ],
    out_shape=[
        jax.ShapeDtypeStruct((1, _BATCH), jnp.float32),
        jax.ShapeDtypeStruct((1, _BATCH), jnp.float32),
        jax.ShapeDtypeStruct((1, _BATCH), jnp.int32),
    ],
    compiler_params=pltpu.CompilerParams(
        dimension_semantics=("arbitrary",),
        vmem_limit_bytes=100 * 1024 * 1024,
    ),
)


_MB = 2048
_MGRID = _BATCH // _MB


def _tc_mask_body(parts_ref, loss_ref, conf_ref, y_ref, out_ref):
    pid = pl.program_id(0)

    @pl.when(pid == 0)
    def _():
        out_ref[0, 0] = 0.0

    h_row = lax.dot_general(jnp.ones((1, _NW), jnp.float32), parts_ref[...],
                            (((1,), (0,)), ((), ())),
                            preferred_element_type=jnp.float32)
    col = lax.broadcasted_iota(jnp.int32, (1, _HW), 1)
    m2 = 2.0 * jnp.maximum(jnp.max(jnp.where(col < _NUM_CLASSES, h_row, 0.0)), 1.0)

    y = y_ref[...]
    iota0 = lax.broadcasted_iota(jnp.int32, (_HW, _MB), 0)
    onehot = jnp.where(iota0 == y, 1.0, 0.0)
    hy = lax.dot_general(h_row, onehot, (((1,), (0,)), ((), ())),
                         preferred_element_type=jnp.float32)

    conf = conf_ref[...]
    keep = conf * (m2 - hy) > _TAU * hy
    psum = jnp.sum(jnp.where(keep, loss_ref[...], 0.0))
    out_ref[0, 0] += psum * (1.0 / _BATCH)


_tc_mask = pl.pallas_call(
    _tc_mask_body,
    grid=(_MGRID,),
    in_specs=[
        pl.BlockSpec((_NW, _HW), lambda i: (0, 0)),
        pl.BlockSpec((1, _MB), lambda i: (0, i)),
        pl.BlockSpec((1, _MB), lambda i: (0, i)),
        pl.BlockSpec((1, _MB), lambda i: (0, i)),
    ],
    out_specs=pl.BlockSpec(memory_space=pltpu.SMEM),
    out_shape=jax.ShapeDtypeStruct((1, 1), jnp.float32),
    compiler_params=pltpu.CompilerParams(
        dimension_semantics=("arbitrary",),
    ),
)


def kernel(logits_s, logits_w, Y_hat):
    lossraw, conf, y = _tc_stats(logits_w.T, logits_s.T)
    parts = _sc_hist()(Y_hat)
    return _tc_mask(parts, lossraw, conf, y)[0, 0]

# --- scband reference (transcript-rebuilt; emitter-appended) ---
"""Pipeline reference for scband-flex-dash-cross-entropy-69389491634179 (READ-ONLY COPY).

The authoritative reference and input builder live on the scoring server;
editing this copy changes nothing except your own understanding.
"""

import jax, jax.numpy as jnp
import numpy as np
from math import exp, log, cos, pi

NUM_CLASSES = 1000
NUM_SAMPLES = 1000000
TEMPERATURE = 0.5
THRESHOLD = 0.95
WARMUP = 1000
ITERATION = 0
BATCH = 16384


def cosine_annealing(mx, mn, t):
    return mn + (mx - mn) * 0.5 * (1 + cos(t * pi))


def setup_inputs(seed: int = 0) -> dict:
    key = jax.random.key(seed)
    k1, k2 = jax.random.split(key)
    logits_s = jax.random.normal(k1, (BATCH, NUM_CLASSES), dtype=jnp.float32)
    logits_w = jax.random.normal(k2, (BATCH, NUM_CLASSES), dtype=jnp.float32)
    # registered buffer: Y_hat initialized to num_classes for every sample
    Y_hat = jnp.full((NUM_SAMPLES,), NUM_CLASSES, dtype=jnp.int32)
    return {"logits_s": logits_s, "logits_w": logits_w, "Y_hat": Y_hat}


def reference(logits_s, logits_w, Y_hat):
    probs = jax.nn.softmax(logits_w / TEMPERATURE, axis=-1)
    c = probs.max(axis=-1)
    y_hat = probs.argmax(axis=-1)
    # (self.y_hat assignment in torch does not affect loss; local y_hat is used)
    beta = jnp.bincount(Y_hat, length=NUM_CLASSES + 1)
    beta = beta.at[NUM_CLASSES].set(1)
    beta = beta.astype(jnp.float32)
    beta = beta / (2.0 * beta.max() - beta)
    if ITERATION < WARMUP:
        tau = exp(-cosine_annealing(log(NUM_CLASSES), -log(THRESHOLD), ITERATION / WARMUP))
    else:
        tau = THRESHOLD
    mask = (c > tau * beta[y_hat]).astype(jnp.float32)
    logp = jax.nn.log_softmax(logits_s, axis=-1)
    loss = -jnp.take_along_axis(logp, y_hat[:, None], axis=1)[:, 0]
    return (loss * mask).mean()

if __name__ == "__main__":
    import jax
    _d = setup_inputs()
    print(jax.jit(kernel)(*tuple(_d.values())))

</pallas_src>

<mosaic_0001>
#map = affine_map<(d0, d1) -> (0)>
#map1 = affine_map<(d0, d1) -> (0, 0)>
module attributes {stable_mosaic.version = 14 : i64} {
  func.func @_sc_hist_body(%arg0: i32, %arg1: i32, %arg2: memref<1000000xi32, #tpu.memory_space<hbm>>, %arg3: memref<32x1024xf32, #tpu.memory_space<hbm>>, %arg4: memref<31312xi32, #tpu.memory_space<vmem>>, %arg5: memref<16384xf32, #tpu.memory_space<vmem>>, %arg6: memref<1024xf32, #tpu.memory_space<vmem>>) attributes {dimension_semantics = [#tpu.dimension_semantics<core_parallel>, #tpu.dimension_semantics<subcore_parallel>], iteration_bounds = array<i64: 2, 16>, scalar_prefetch = 0 : i64, scratch_operands = 3 : i64, tpu.core_type = #tpu.core_type<sc_vector_subcore>, window_params = [{transform_indices = #map}, {transform_indices = #map1}]} {
    %mul3A = arith.constant 2 : i32
    %mul3A_0 = arith.muli %arg1, %mul3A : i32
    %add3A = arith.addi %mul3A_0, %arg0 : i32
    %mul3A_1 = arith.constant 31248 : i32
    %mul3A_2 = arith.muli %add3A, %mul3A_1 : i32
    "tpu.region"() ({
      %run_scoped3A = tpu.sem_alloc : memref<!tpu.dma_semaphore, #tpu.memory_space<semaphore_mem>>
      %dma_start3A = arith.constant 0 : i32
      %dma_start3A_33 = tpu.memref_slice %arg4[%dma_start3A] : memref<31312xi32, #tpu.memory_space<vmem>> -> memref<31248xi32, #tpu.memory_space<vmem>>
      %dma_start3A_34 = tpu.memref_slice %arg2[%mul3A_2] : memref<1000000xi32, #tpu.memory_space<hbm>> -> memref<31248xi32, #tpu.memory_space<hbm>>
      %dma_start3A_35 = arith.constant 0 : i32
      %dma_start3A_36 = tpu.memref_slice %arg4[%dma_start3A_35] : memref<31312xi32, #tpu.memory_space<vmem>> -> memref<31248xi32, #tpu.memory_space<vmem>>
      %dma_start3A_37 = tpu.memref_slice %arg2[%mul3A_2] : memref<1000000xi32, #tpu.memory_space<hbm>> -> memref<31248xi32, #tpu.memory_space<hbm>>
      tpu.enqueue_dma source(%dma_start3A_37 : memref<31248xi32, #tpu.memory_space<hbm>>) target(%dma_start3A_36 : memref<31248xi32, #tpu.memory_space<vmem>>) target_semaphore(%run_scoped3A : memref<!tpu.dma_semaphore, #tpu.memory_space<semaphore_mem>>)
      %dma_wait3A = arith.constant 0 : i32
      %dma_wait3A_38 = tpu.memref_slice %arg4[%dma_wait3A] : memref<31312xi32, #tpu.memory_space<vmem>> -> memref<31248xi32, #tpu.memory_space<vmem>>
      %dma_wait3A_39 = tpu.memref_slice %arg2[%mul3A_2] : memref<1000000xi32, #tpu.memory_space<hbm>> -> memref<31248xi32, #tpu.memory_space<hbm>>
      %dma_wait3A_40 = arith.constant 0 : i32
      %dma_wait3A_41 = tpu.memref_slice %arg4[%dma_wait3A_40] : memref<31312xi32, #tpu.memory_space<vmem>> -> memref<31248xi32, #tpu.memory_space<vmem>>
      %dma_wait3A_42 = tpu.memref_slice %arg2[%mul3A_2] : memref<1000000xi32, #tpu.memory_space<hbm>> -> memref<31248xi32, #tpu.memory_space<hbm>>
      tpu.wait_dma2 semaphore(%run_scoped3A : memref<!tpu.dma_semaphore, #tpu.memory_space<semaphore_mem>>) src(%dma_wait3A_42 : memref<31248xi32, #tpu.memory_space<hbm>>) dst(%dma_wait3A_41 : memref<31248xi32, #tpu.memory_space<vmem>>)
      tpu.yield
    }) : () -> ()
    %eq3A = arith.constant 0 : i32
    %eq3A_3 = arith.cmpi eq, %add3A, %eq3A : i32
    %convert_element_type3A = arith.extui %eq3A_3 : i1 to i32
    %cond3A = arith.constant 0 : i32
    %cond3A_4 = arith.cmpi ne, %convert_element_type3A, %cond3A : i32
    scf.if %cond3A_4 {
      "tpu.region"() ({
        %run_scoped3A = tpu.sem_alloc : memref<!tpu.dma_semaphore, #tpu.memory_space<semaphore_mem>>
        %dma_start3A = arith.constant 31248 : i32
        %dma_start3A_33 = tpu.memref_slice %arg4[%dma_start3A] : memref<31312xi32, #tpu.memory_space<vmem>> -> memref<64xi32, #tpu.memory_space<vmem>>
        %dma_start3A_34 = arith.constant 999936 : i32
        %dma_start3A_35 = tpu.memref_slice %arg2[%dma_start3A_34] : memref<1000000xi32, #tpu.memory_space<hbm>> -> memref<64xi32, #tpu.memory_space<hbm>>
        %dma_start3A_36 = arith.constant 31248 : i32
        %dma_start3A_37 = tpu.memref_slice %arg4[%dma_start3A_36] : memref<31312xi32, #tpu.memory_space<vmem>> -> memref<64xi32, #tpu.memory_space<vmem>>
        %dma_start3A_38 = arith.constant 999936 : i32
        %dma_start3A_39 = tpu.memref_slice %arg2[%dma_start3A_38] : memref<1000000xi32, #tpu.memory_space<hbm>> -> memref<64xi32, #tpu.memory_space<hbm>>
        tpu.enqueue_dma source(%dma_start3A_39 : memref<64xi32, #tpu.memory_space<hbm>>) target(%dma_start3A_37 : memref<64xi32, #tpu.memory_space<vmem>>) target_semaphore(%run_scoped3A : memref<!tpu.dma_semaphore, #tpu.memory_space<semaphore_mem>>)
        %dma_wait3A = arith.constant 31248 : i32
        %dma_wait3A_40 = tpu.memref_slice %arg4[%dma_wait3A] : memref<31312xi32, #tpu.memory_space<vmem>> -> memref<64xi32, #tpu.memory_space<vmem>>
        %dma_wait3A_41 = arith.constant 999936 : i32
        %dma_wait3A_42 = tpu.memref_slice %arg2[%dma_wait3A_41] : memref<1000000xi32, #tpu.memory_space<hbm>> -> memref<64xi32, #tpu.memory_space<hbm>>
        %dma_wait3A_43 = arith.constant 31248 : i32
        %dma_wait3A_44 = tpu.memref_slice %arg4[%dma_wait3A_43] : memref<31312xi32, #tpu.memory_space<vmem>> -> memref<64xi32, #tpu.memory_space<vmem>>
        %dma_wait3A_45 = arith.constant 999936 : i32
        %dma_wait3A_46 = tpu.memref_slice %arg2[%dma_wait3A_45] : memref<1000000xi32, #tpu.memory_space<hbm>> -> memref<64xi32, #tpu.memory_space<hbm>>
        tpu.wait_dma2 semaphore(%run_scoped3A : memref<!tpu.dma_semaphore, #tpu.memory_space<semaphore_mem>>) src(%dma_wait3A_46 : memref<64xi32, #tpu.memory_space<hbm>>) dst(%dma_wait3A_44 : memref<64xi32, #tpu.memory_space<vmem>>)
        tpu.yield
      }) : () -> ()
    } else {
    }
    %broadcast_in_dim3A = arith.constant 0.000000e+00 : f32
    %broadcast_in_dim3A_5 = vector.broadcast %broadcast_in_dim3A : f32 to vector<16xf32>
    %scan3A = arith.constant 0 : i32
    %scan3A_6 = arith.constant 0 : i32
    %scan3A_7 = arith.constant 1024 : i32
    %scan3A_8 = arith.addi %scan3A_6, %scan3A_7 : i32
    %scan3A_9 = arith.constant 1 : i32
    scf.for %scan3A_33 = %scan3A_6 to %scan3A_8 step %scan3A_9  : i32 {
      %mul3A_34 = arith.constant 16 : i32
      %mul3A_35 = arith.muli %scan3A_33, %mul3A_34 : i32
      %swap3A = arith.index_cast %mul3A_35 : i32 to index
      %swap3A_36 = tpu.vector_load %arg5[%swap3A] {strides = array<i32>} : memref<16384xf32, #tpu.memory_space<vmem>>, vector<16xf32>,
      tpu.vector_store %arg5[%swap3A], %broadcast_in_dim3A_5 {strides = array<i32>} : memref<16384xf32, #tpu.memory_space<vmem>>, vector<16xf32>,
    }
    %scan3A_10 = arith.constant 1024 : i32
    %iota3A = tpu.iota {dimensions = array<i32: 0>} : vector<16xi32>
    %mul3A_11 = arith.constant 1024 : i32
    %mul3A_12 = vector.broadcast %mul3A_11 : i32 to vector<16xi32>
    %mul3A_13 = arith.muli %iota3A, %mul3A_12 : vector<16xi32>
    %broadcast_in_dim3A_14 = arith.constant 1.000000e+00 : f32
    %broadcast_in_dim3A_15 = vector.broadcast %broadcast_in_dim3A_14 : f32 to vector<16xf32>
    %scan3A_16 = arith.constant 0 : i32
    %scan3A_17 = arith.constant 0 : i32
    %scan3A_18 = arith.constant 1953 : i32
    %scan3A_19 = arith.addi %scan3A_17, %scan3A_18 : i32
    %scan3A_20 = arith.constant 1 : i32
    scf.for %scan3A_33 = %scan3A_17 to %scan3A_19 step %scan3A_20  : i32 {
      %mul3A_34 = arith.constant 16 : i32
      %mul3A_35 = arith.muli %scan3A_33, %mul3A_34 : i32
      %get3A = arith.index_cast %mul3A_35 : i32 to index
      %get3A_36 = tpu.vector_load %arg4[%get3A] {strides = array<i32>} : memref<31312xi32, #tpu.memory_space<vmem>>, vector<16xi32>,
      %max3A = arith.constant 0 : i32
      %max3A_37 = vector.broadcast %max3A : i32 to vector<16xi32>
      %max3A_38 = arith.maxsi %get3A_36, %max3A_37 : vector<16xi32>
      %min3A = arith.constant 1023 : i32
      %min3A_39 = vector.broadcast %min3A : i32 to vector<16xi32>
      %min3A_40 = arith.minsi %max3A_38, %min3A_39 : vector<16xi32>
      %add3A_41 = arith.addi %mul3A_13, %min3A_40 : vector<16xi32>
      tpu.vector_store_idx %arg5[%add3A_41], %broadcast_in_dim3A_15 {add = true} : memref<16384xf32, #tpu.memory_space<vmem>>[vector<16xi32>], vector<16xf32>,
    }
    %scan3A_21 = arith.constant 1953 : i32
    %eq3A_22 = arith.constant 0 : i32
    %eq3A_23 = arith.cmpi eq, %add3A, %eq3A_22 : i32
    %convert_element_type3A_24 = arith.extui %eq3A_23 : i1 to i32
    %cond3A_25 = arith.constant 0 : i32
    %cond3A_26 = arith.cmpi ne, %convert_element_type3A_24, %cond3A_25 : i32
    scf.if %cond3A_26 {
      %scan3A_33 = arith.constant 0 : i32
      %scan3A_34 = arith.constant 1953 : i32
      %scan3A_35 = arith.constant 4 : i32
      %scan3A_36 = arith.addi %scan3A_34, %scan3A_35 : i32
      %scan3A_37 = arith.constant 1 : i32
      scf.for %scan3A_39 = %scan3A_34 to %scan3A_36 step %scan3A_37  : i32 {
        %mul3A_40 = arith.constant 16 : i32
        %mul3A_41 = arith.muli %scan3A_39, %mul3A_40 : i32
        %get3A = arith.index_cast %mul3A_41 : i32 to index
        %get3A_42 = tpu.vector_load %arg4[%get3A] {strides = array<i32>} : memref<31312xi32, #tpu.memory_space<vmem>>, vector<16xi32>,
        %max3A = arith.constant 0 : i32
        %max3A_43 = vector.broadcast %max3A : i32 to vector<16xi32>
        %max3A_44 = arith.maxsi %get3A_42, %max3A_43 : vector<16xi32>
        %min3A = arith.constant 1023 : i32
        %min3A_45 = vector.broadcast %min3A : i32 to vector<16xi32>
        %min3A_46 = arith.minsi %max3A_44, %min3A_45 : vector<16xi32>
        %add3A_47 = arith.addi %mul3A_13, %min3A_46 : vector<16xi32>
        tpu.vector_store_idx %arg5[%add3A_47], %broadcast_in_dim3A_15 {add = true} : memref<16384xf32, #tpu.memory_space<vmem>>[vector<16xi32>], vector<16xf32>,
      }
      %scan3A_38 = arith.constant 4 : i32
    } else {
    }
    %scan3A_27 = arith.constant 0 : i32
    %scan3A_28 = arith.constant 0 : i32
    %scan3A_29 = arith.constant 64 : i32
    %scan3A_30 = arith.addi %scan3A_28, %scan3A_29 : i32
    %scan3A_31 = arith.constant 1 : i32
    scf.for %scan3A_33 = %scan3A_28 to %scan3A_30 step %scan3A_31  : i32 {
      %mul3A_34 = arith.constant 16 : i32
      %mul3A_35 = arith.muli %scan3A_33, %mul3A_34 : i32
      %add3A_36 = arith.constant 0 : i32
      %add3A_37 = arith.addi %add3A_36, %mul3A_35 : i32
      %get3A = arith.index_cast %add3A_37 : i32 to index
      %get3A_38 = tpu.vector_load %arg5[%get3A] {strides = array<i32>} : memref<16384xf32, #tpu.memory_space<vmem>>, vector<16xf32>,
      %add3A_39 = arith.addf %broadcast_in_dim3A_5, %get3A_38 : vector<16xf32>
      %mul3A_40 = arith.constant 16 : i32
      %mul3A_41 = arith.muli %scan3A_33, %mul3A_40 : i32
      %add3A_42 = arith.constant 1024 : i32
      %add3A_43 = arith.addi %add3A_42, %mul3A_41 : i32
      %get3A_44 = arith.index_cast %add3A_43 : i32 to index
      %get3A_45 = tpu.vector_load %arg5[%get3A_44] {strides = array<i32>} : memref<16384xf32, #tpu.memory_space<vmem>>, vector<16xf32>,
      %add3A_46 = arith.addf %add3A_39, %get3A_45 : vector<16xf32>
      %mul3A_47 = arith.constant 16 : i32
      %mul3A_48 = arith.muli %scan3A_33, %mul3A_47 : i32
      %add3A_49 = arith.constant 2048 : i32
      %add3A_50 = arith.addi %add3A_49, %mul3A_48 : i32
      %get3A_51 = arith.index_cast %add3A_50 : i32 to index
      %get3A_52 = tpu.vector_load %arg5[%get3A_51] {strides = array<i32>} : memref<16384xf32, #tpu.memory_space<vmem>>, vector<16xf32>,
      %add3A_53 = arith.addf %add3A_46, %get3A_52 : vector<16xf32>
      %mul3A_54 = arith.constant 16 : i32
      %mul3A_55 = arith.muli %scan3A_33, %mul3A_54 : i32
      %add3A_56 = arith.constant 3072 : i32
      %add3A_57 = arith.addi %add3A_56, %mul3A_55 : i32
      %get3A_58 = arith.index_cast %add3A_57 : i32 to index
      %get3A_59 = tpu.vector_load %arg5[%get3A_58] {strides = array<i32>} : memref<16384xf32, #tpu.memory_space<vmem>>, vector<16xf32>,
      %add3A_60 = arith.addf %add3A_53, %get3A_59 : vector<16xf32>
      %mul3A_61 = arith.constant 16 : i32
      %mul3A_62 = arith.muli %scan3A_33, %mul3A_61 : i32
      %add3A_63 = arith.constant 4096 : i32
      %add3A_64 = arith.addi %add3A_63, %mul3A_62 : i32
      %get3A_65 = arith.index_cast %add3A_64 : i32 to index
      %get3A_66 = tpu.vector_load %arg5[%get3A_65] {strides = array<i32>} : memref<16384xf32, #tpu.memory_space<vmem>>, vector<16xf32>,
      %add3A_67 = arith.addf %add3A_60, %get3A_66 : vector<16xf32>
      %mul3A_68 = arith.constant 16 : i32
      %mul3A_69 = arith.muli %scan3A_33, %mul3A_68 : i32
      %add3A_70 = arith.constant 5120 : i32
      %add3A_71 = arith.addi %add3A_70, %mul3A_69 : i32
      %get3A_72 = arith.index_cast %add3A_71 : i32 to index
      %get3A_73 = tpu.vector_load %arg5[%get3A_72] {strides = array<i32>} : memref<16384xf32, #tpu.memory_space<vmem>>, vector<16xf32>,
      %add3A_74 = arith.addf %add3A_67, %get3A_73 : vector<16xf32>
      %mul3A_75 = arith.constant 16 : i32
      %mul3A_76 = arith.muli %scan3A_33, %mul3A_75 : i32
      %add3A_77 = arith.constant 6144 : i32
      %add3A_78 = arith.addi %add3A_77, %mul3A_76 : i32
      %get3A_79 = arith.index_cast %add3A_78 : i32 to index
      %get3A_80 = tpu.vector_load %arg5[%get3A_79] {strides = array<i32>} : memref<16384xf32, #tpu.memory_space<vmem>>, vector<16xf32>,
      %add3A_81 = arith.addf %add3A_74, %get3A_80 : vector<16xf32>
      %mul3A_82 = arith.constant 16 : i32
      %mul3A_83 = arith.muli %scan3A_33, %mul3A_82 : i32
      %add3A_84 = arith.constant 7168 : i32
      %add3A_85 = arith.addi %add3A_84, %mul3A_83 : i32
      %get3A_86 = arith.index_cast %add3A_85 : i32 to index
      %get3A_87 = tpu.vector_load %arg5[%get3A_86] {strides = array<i32>} : memref<16384xf32, #tpu.memory_space<vmem>>, vector<16xf32>,
      %add3A_88 = arith.addf %add3A_81, %get3A_87 : vector<16xf32>
      %mul3A_89 = arith.constant 16 : i32
      %mul3A_90 = arith.muli %scan3A_33, %mul3A_89 : i32
      %add3A_91 = arith.constant 8192 : i32
      %add3A_92 = arith.addi %add3A_91, %mul3A_90 : i32
      %get3A_93 = arith.index_cast %add3A_92 : i32 to index
      %get3A_94 = tpu.vector_load %arg5[%get3A_93] {strides = array<i32>} : memref<16384xf32, #tpu.memory_space<vmem>>, vector<16xf32>,
      %add3A_95 = arith.addf %add3A_88, %get3A_94 : vector<16xf32>
      %mul3A_96 = arith.constant 16 : i32
      %mul3A_97 = arith.muli %scan3A_33, %mul3A_96 : i32
      %add3A_98 = arith.constant 9216 : i32
      %add3A_99 = arith.addi %add3A_98, %mul3A_97 : i32
      %get3A_100 = arith.index_cast %add3A_99 : i32 to index
      %get3A_101 = tpu.vector_load %arg5[%get3A_100] {strides = array<i32>} : memref<16384xf32, #tpu.memory_space<vmem>>, vector<16xf32>,
      %add3A_102 = arith.addf %add3A_95, %get3A_101 : vector<16xf32>
      %mul3A_103 = arith.constant 16 : i32
      %mul3A_104 = arith.muli %scan3A_33, %mul3A_103 : i32
      %add3A_105 = arith.constant 10240 : i32
      %add3A_106 = arith.addi %add3A_105, %mul3A_104 : i32
      %get3A_107 = arith.index_cast %add3A_106 : i32 to index
      %get3A_108 = tpu.vector_load %arg5[%get3A_107] {strides = array<i32>} : memref<16384xf32, #tpu.memory_space<vmem>>, vector<16xf32>,
      %add3A_109 = arith.addf %add3A_102, %get3A_108 : vector<16xf32>
      %mul3A_110 = arith.constant 16 : i32
      %mul3A_111 = arith.muli %scan3A_33, %mul3A_110 : i32
      %add3A_112 = arith.constant 11264 : i32
      %add3A_113 = arith.addi %add3A_112, %mul3A_111 : i32
      %get3A_114 = arith.index_cast %add3A_113 : i32 to index
      %get3A_115 = tpu.vector_load %arg5[%get3A_114] {strides = array<i32>} : memref<16384xf32, #tpu.memory_space<vmem>>, vector<16xf32>,
      %add3A_116 = arith.addf %add3A_109, %get3A_115 : vector<16xf32>
      %mul3A_117 = arith.constant 16 : i32
      %mul3A_118 = arith.muli %scan3A_33, %mul3A_117 : i32
      %add3A_119 = arith.constant 12288 : i32
      %add3A_120 = arith.addi %add3A_119, %mul3A_118 : i32
      %get3A_121 = arith.index_cast %add3A_120 : i32 to index
      %get3A_122 = tpu.vector_load %arg5[%get3A_121] {strides = array<i32>} : memref<16384xf32, #tpu.memory_space<vmem>>, vector<16xf32>,
      %add3A_123 = arith.addf %add3A_116, %get3A_122 : vector<16xf32>
      %mul3A_124 = arith.constant 16 : i32
      %mul3A_125 = arith.muli %scan3A_33, %mul3A_124 : i32
      %add3A_126 = arith.constant 13312 : i32
      %add3A_127 = arith.addi %add3A_126, %mul3A_125 : i32
      %get3A_128 = arith.index_cast %add3A_127 : i32 to index
      %get3A_129 = tpu.vector_load %arg5[%get3A_128] {strides = array<i32>} : memref<16384xf32, #tpu.memory_space<vmem>>, vector<16xf32>,
      %add3A_130 = arith.addf %add3A_123, %get3A_129 : vector<16xf32>
      %mul3A_131 = arith.constant 16 : i32
      %mul3A_132 = arith.muli %scan3A_33, %mul3A_131 : i32
      %add3A_133 = arith.constant 14336 : i32
      %add3A_134 = arith.addi %add3A_133, %mul3A_132 : i32
      %get3A_135 = arith.index_cast %add3A_134 : i32 to index
      %get3A_136 = tpu.vector_load %arg5[%get3A_135] {strides = array<i32>} : memref<16384xf32, #tpu.memory_space<vmem>>, vector<16xf32>,
      %add3A_137 = arith.addf %add3A_130, %get3A_136 : vector<16xf32>
      %mul3A_138 = arith.constant 16 : i32
      %mul3A_139 = arith.muli %scan3A_33, %mul3A_138 : i32
      %add3A_140 = arith.constant 15360 : i32
      %add3A_141 = arith.addi %add3A_140, %mul3A_139 : i32
      %get3A_142 = arith.index_cast %add3A_141 : i32 to index
      %get3A_143 = tpu.vector_load %arg5[%get3A_142] {strides = array<i32>} : memref<16384xf32, #tpu.memory_space<vmem>>, vector<16xf32>,
      %add3A_144 = arith.addf %add3A_137, %get3A_143 : vector<16xf32>
      %mul3A_145 = arith.constant 16 : i32
      %mul3A_146 = arith.muli %scan3A_33, %mul3A_145 : i32
      %swap3A = arith.index_cast %mul3A_146 : i32 to index
      %swap3A_147 = tpu.vector_load %arg6[%swap3A] {strides = array<i32>} : memref<1024xf32, #tpu.memory_space<vmem>>, vector<16xf32>,
      tpu.vector_store %arg6[%swap3A], %add3A_144 {strides = array<i32>} : memref<1024xf32, #tpu.memory_space<vmem>>, vector<16xf32>,
    }
    %scan3A_32 = arith.constant 64 : i32
    "tpu.region"() ({
      %run_scoped3A = tpu.sem_alloc : memref<!tpu.dma_semaphore, #tpu.memory_space<semaphore_mem>>
      %dma_start3A = arith.constant 0 : i32
      %dma_start3A_33 = tpu.memref_slice %arg3[%add3A, %dma_start3A] : memref<32x1024xf32, #tpu.memory_space<hbm>> -> memref<1x1024xf32, #tpu.memory_space<hbm>>
      %dma_start3A_34 = tpu.memref_squeeze %dma_start3A_33 : memref<1x1024xf32, #tpu.memory_space<hbm>> -> memref<1024xf32, #tpu.memory_space<hbm>>
      %dma_start3A_35 = arith.constant 0 : i32
      %dma_start3A_36 = tpu.memref_slice %arg3[%add3A, %dma_start3A_35] : memref<32x1024xf32, #tpu.memory_space<hbm>> -> memref<1x1024xf32, #tpu.memory_space<hbm>>
      %dma_start3A_37 = tpu.memref_squeeze %dma_start3A_36 : memref<1x1024xf32, #tpu.memory_space<hbm>> -> memref<1024xf32, #tpu.memory_space<hbm>>
      tpu.enqueue_dma source(%arg6 : memref<1024xf32, #tpu.memory_space<vmem>>) target(%dma_start3A_37 : memref<1024xf32, #tpu.memory_space<hbm>>) target_semaphore(%run_scoped3A : memref<!tpu.dma_semaphore, #tpu.memory_space<semaphore_mem>>)
      %dma_wait3A = arith.constant 0 : i32
      %dma_wait3A_38 = tpu.memref_slice %arg3[%add3A, %dma_wait3A] : memref<32x1024xf32, #tpu.memory_space<hbm>> -> memref<1x1024xf32, #tpu.memory_space<hbm>>
      %dma_wait3A_39 = tpu.memref_squeeze %dma_wait3A_38 : memref<1x1024xf32, #tpu.memory_space<hbm>> -> memref<1024xf32, #tpu.memory_space<hbm>>
      %dma_wait3A_40 = arith.constant 0 : i32
      %dma_wait3A_41 = tpu.memref_slice %arg3[%add3A, %dma_wait3A_40] : memref<32x1024xf32, #tpu.memory_space<hbm>> -> memref<1x1024xf32, #tpu.memory_space<hbm>>
      %dma_wait3A_42 = tpu.memref_squeeze %dma_wait3A_41 : memref<1x1024xf32, #tpu.memory_space<hbm>> -> memref<1024xf32, #tpu.memory_space<hbm>>
      tpu.wait_dma2 semaphore(%run_scoped3A : memref<!tpu.dma_semaphore, #tpu.memory_space<semaphore_mem>>) src(%arg6 : memref<1024xf32, #tpu.memory_space<vmem>>) dst(%dma_wait3A_42 : memref<1024xf32, #tpu.memory_space<hbm>>)
      tpu.yield
    }) : () -> ()
    return
  }
}

module attributes {stable_mosaic.version = 14 : i64} {
  func.func @_tc_stats_body(%arg0: i32, %arg1: memref<1000x2048xf32, #tpu.memory_space<vmem>>, %arg2: memref<1000x2048xf32, #tpu.memory_space<vmem>>, %arg3: memref<1x2048xf32, #tpu.memory_space<vmem>>, %arg4: memref<1x2048xf32, #tpu.memory_space<vmem>>, %arg5: memref<1x2048xi32, #tpu.memory_space<vmem>>) attributes {dimension_semantics = [#tpu.dimension_semantics<arbitrary>], iteration_bounds = array<i64: 8>, scalar_prefetch = 0 : i64, scratch_operands = 0 : i64, tpu.core_type = #tpu.core_type<tc>, window_params = [{transform_indices = @transform_0, window_bounds = array<i64: 1000, 2048>}, {transform_indices = @transform_1, window_bounds = array<i64: 1000, 2048>}, {transform_indices = @transform_2, window_bounds = array<i64: 1, 2048>}, {transform_indices = @transform_3, window_bounds = array<i64: 1, 2048>}, {transform_indices = @transform_4, window_bounds = array<i64: 1, 2048>}]} {
    %get3A = arith.constant 0 : index
    %get3A_0 = arith.constant 0 : index
    %get3A_1 = vector.load %arg1[%get3A, %get3A_0] : memref<1000x2048xf32, #tpu.memory_space<vmem>>, vector<1000x2048xf32>
    %get3A_2 = arith.constant 0 : index
    %get3A_3 = arith.constant 0 : index
    %get3A_4 = vector.load %arg2[%get3A_2, %get3A_3] : memref<1000x2048xf32, #tpu.memory_space<vmem>>, vector<1000x2048xf32>
    %broadcast_in_dim3A = arith.constant 1.000000e+00 : f32
    %broadcast_in_dim3A_5 = vector.broadcast %broadcast_in_dim3A : f32 to vector<1x1000xf32>
    %reduce_max3A = arith.constant dense<0xFF800000> : vector<2048xf32>
    %reduce_max3A_6 = vector.multi_reduction <maximumf>, %get3A_1, %reduce_max3A [0] : vector<1000x2048xf32> to vector<2048xf32>
    %broadcast_in_dim3A_7 = vector.shape_cast %reduce_max3A_6 : vector<2048xf32> to vector<1x2048xf32>
    %sub3A = vector.broadcast %broadcast_in_dim3A_7 : vector<1x2048xf32> to vector<1000x2048xf32>
    %sub3A_8 = arith.subf %get3A_1, %sub3A : vector<1000x2048xf32>
    %mul3A = arith.constant 2.000000e+00 : f32
    %mul3A_9 = vector.broadcast %mul3A : f32 to vector<1000x2048xf32>
    %mul3A_10 = arith.mulf %sub3A_8, %mul3A_9 : vector<1000x2048xf32>
    %exp3A = math.exp %mul3A_10 : vector<1000x2048xf32>
    %dot_general3A = arith.constant dense<0.000000e+00> : vector<1x2048xf32>
    %dot_general3A_11 = tpu.matmul %broadcast_in_dim3A_5, %exp3A, %dot_general3A {dimension_numbers = #tpu.dot_dimension_numbers<[1], [0], [0], [1], [0, 0, 1, 1], [], []>, transpose_lhs_hint = false} : vector<1x1000xf32>, vector<1000x2048xf32>, vector<1x2048xf32> -> vector<1x2048xf32>
    %div3A = arith.constant 1.000000e+00 : f32
    %div3A_12 = vector.broadcast %div3A : f32 to vector<1x2048xf32>
    %div3A_13 = arith.divf %div3A_12, %dot_general3A_11 : vector<1x2048xf32>
    %swap3A = arith.constant 0 : index
    %swap3A_14 = arith.constant 0 : index
    %swap3A_15 = vector.load %arg4[%swap3A, %swap3A_14] : memref<1x2048xf32, #tpu.memory_space<vmem>>, vector<1x2048xf32>
    tpu.vector_store %arg4[%swap3A, %swap3A_14], %div3A_13 {strides = array<i32>} : memref<1x2048xf32, #tpu.memory_space<vmem>>, vector<1x2048xf32>,
    %iota3A = tpu.iota {dimensions = array<i32: 0>} : vector<1000x2048xi32>
    %eq3A = vector.broadcast %broadcast_in_dim3A_7 : vector<1x2048xf32> to vector<1000x2048xf32>
    %eq3A_16 = arith.cmpf oeq, %get3A_1, %eq3A : vector<1000x2048xf32>
    %jit3A = arith.constant 1000 : i32
    %broadcast_in_dim3A_17 = vector.broadcast %jit3A : i32 to vector<1000x2048xi32>
    %select_n3A = arith.select %eq3A_16, %iota3A, %broadcast_in_dim3A_17 : vector<1000x2048xi1>, vector<1000x2048xi32>
    %reduce_min3A = arith.constant dense<2147483647> : vector<2048xi32>
    %reduce_min3A_18 = vector.multi_reduction <minsi>, %select_n3A, %reduce_min3A [0] : vector<1000x2048xi32> to vector<2048xi32>
    %broadcast_in_dim3A_19 = vector.shape_cast %reduce_min3A_18 : vector<2048xi32> to vector<1x2048xi32>
    %swap3A_20 = arith.constant 0 : index
    %swap3A_21 = arith.constant 0 : index
    %swap3A_22 = vector.load %arg5[%swap3A_20, %swap3A_21] : memref<1x2048xi32, #tpu.memory_space<vmem>>, vector<1x2048xi32>
    tpu.vector_store %arg5[%swap3A_20, %swap3A_21], %broadcast_in_dim3A_19 {strides = array<i32>} : memref<1x2048xi32, #tpu.memory_space<vmem>>, vector<1x2048xi32>,
    %eq3A_23 = vector.broadcast %broadcast_in_dim3A_19 : vector<1x2048xi32> to vector<1000x2048xi32>
    %eq3A_24 = arith.cmpi eq, %iota3A, %eq3A_23 : vector<1000x2048xi32>
    %jit3A_25 = arith.constant 0.000000e+00 : f32
    %broadcast_in_dim3A_26 = vector.broadcast %jit3A_25 : f32 to vector<1000x2048xf32>
    %select_n3A_27 = arith.select %eq3A_24, %get3A_4, %broadcast_in_dim3A_26 : vector<1000x2048xi1>, vector<1000x2048xf32>
    %dot_general3A_28 = arith.constant dense<0.000000e+00> : vector<1x2048xf32>
    %dot_general3A_29 = tpu.matmul %broadcast_in_dim3A_5, %select_n3A_27, %dot_general3A_28 {dimension_numbers = #tpu.dot_dimension_numbers<[1], [0], [0], [1], [0, 0, 1, 1], [], []>, transpose_lhs_hint = false} : vector<1x1000xf32>, vector<1000x2048xf32>, vector<1x2048xf32> -> vector<1x2048xf32>
    %reduce_max3A_30 = arith.constant dense<0xFF800000> : vector<2048xf32>
    %reduce_max3A_31 = vector.multi_reduction <maximumf>, %get3A_4, %reduce_max3A_30 [0] : vector<1000x2048xf32> to vector<2048xf32>
    %broadcast_in_dim3A_32 = vector.shape_cast %reduce_max3A_31 : vector<2048xf32> to vector<1x2048xf32>
    %sub3A_33 = vector.broadcast %broadcast_in_dim3A_32 : vector<1x2048xf32> to vector<1000x2048xf32>
    %sub3A_34 = arith.subf %get3A_4, %sub3A_33 : vector<1000x2048xf32>
    %exp3A_35 = math.exp %sub3A_34 : vector<1000x2048xf32>
    %dot_general3A_36 = arith.constant dense<0.000000e+00> : vector<1x2048xf32>
    %dot_general3A_37 = tpu.matmul %broadcast_in_dim3A_5, %exp3A_35, %dot_general3A_36 {dimension_numbers = #tpu.dot_dimension_numbers<[1], [0], [0], [1], [0, 0, 1, 1], [], []>, transpose_lhs_hint = false} : vector<1x1000xf32>, vector<1000x2048xf32>, vector<1x2048xf32> -> vector<1x2048xf32>
    %log3A = math.log %dot_general3A_37 : vector<1x2048xf32>
    %add3A = arith.addf %log3A, %broadcast_in_dim3A_32 : vector<1x2048xf32>
    %sub3A_38 = arith.subf %add3A, %dot_general3A_29 : vector<1x2048xf32>
    %swap3A_39 = arith.constant 0 : index
    %swap3A_40 = arith.constant 0 : index
    %swap3A_41 = vector.load %arg3[%swap3A_39, %swap3A_40] : memref<1x2048xf32, #tpu.memory_space<vmem>>, vector<1x2048xf32>
    tpu.vector_store %arg3[%swap3A_39, %swap3A_40], %sub3A_38 {strides = array<i32>} : memref<1x2048xf32, #tpu.memory_space<vmem>>, vector<1x2048xf32>,
    return
  }
  func.func @transform_0(%arg0: i32) -> (i32, i32) {
    %c0_i32 = arith.constant 0 : i32
    %c0_i32_0 = arith.constant 0 : i32
    return %c0_i32, %arg0 : i32, i32
  }
  func.func @transform_1(%arg0: i32) -> (i32, i32) {
    %c0_i32 = arith.constant 0 : i32
    %c0_i32_0 = arith.constant 0 : i32
    return %c0_i32, %arg0 : i32, i32
  }
  func.func @transform_2(%arg0: i32) -> (i32, i32) {
    %c0_i32 = arith.constant 0 : i32
    %c0_i32_0 = arith.constant 0 : i32
    return %c0_i32, %arg0 : i32, i32
  }
  func.func @transform_3(%arg0: i32) -> (i32, i32) {
    %c0_i32 = arith.constant 0 : i32
    %c0_i32_0 = arith.constant 0 : i32
    return %c0_i32, %arg0 : i32, i32
  }
  func.func @transform_4(%arg0: i32) -> (i32, i32) {
    %c0_i32 = arith.constant 0 : i32
    %c0_i32_0 = arith.constant 0 : i32
    return %c0_i32, %arg0 : i32, i32
  }
}

module attributes {stable_mosaic.version = 14 : i64} {
  func.func @_tc_mask_body(%arg0: i32, %arg1: memref<32x1024xf32, #tpu.memory_space<vmem>>, %arg2: memref<1x2048xf32, #tpu.memory_space<vmem>>, %arg3: memref<1x2048xf32, #tpu.memory_space<vmem>>, %arg4: memref<1x2048xi32, #tpu.memory_space<vmem>>, %arg5: memref<1x1xf32, #tpu.memory_space<smem>>) attributes {dimension_semantics = [#tpu.dimension_semantics<arbitrary>], iteration_bounds = array<i64: 8>, scalar_prefetch = 0 : i64, scratch_operands = 0 : i64, tpu.core_type = #tpu.core_type<tc>, window_params = [{pipeline_mode = #tpu.pipeline_mode<synchronous>, transform_indices = @transform_0, window_bounds = array<i64: 32, 1024>}, {transform_indices = @transform_1, window_bounds = array<i64: 1, 2048>}, {transform_indices = @transform_2, window_bounds = array<i64: 1, 2048>}, {transform_indices = @transform_3, window_bounds = array<i64: 1, 2048>}, {transform_indices = @transform_4, window_bounds = array<i64: 1, 1>}]} {
    %eq3A = arith.constant 0 : i32
    %eq3A_0 = arith.cmpi eq, %arg0, %eq3A : i32
    %convert_element_type3A = arith.extui %eq3A_0 : i1 to i32
    %cond3A = arith.constant 0 : i32
    %cond3A_1 = arith.cmpi ne, %convert_element_type3A, %cond3A : i32
    scf.if %cond3A_1 {
      %swap3A_53 = arith.constant 0.000000e+00 : f32
      %swap3A_54 = arith.constant 0 : index
      %swap3A_55 = arith.constant 0 : index
      %swap3A_56 = memref.load %arg5[%swap3A_54, %swap3A_55] : memref<1x1xf32, #tpu.memory_space<smem>>
      memref.store %swap3A_53, %arg5[%swap3A_54, %swap3A_55] : memref<1x1xf32, #tpu.memory_space<smem>>
    } else {
    }
    %broadcast_in_dim3A = arith.constant 1.000000e+00 : f32
    %broadcast_in_dim3A_2 = vector.broadcast %broadcast_in_dim3A : f32 to vector<1x32xf32>
    %get3A = arith.constant 0 : index
    %get3A_3 = arith.constant 0 : index
    %get3A_4 = vector.load %arg1[%get3A, %get3A_3] : memref<32x1024xf32, #tpu.memory_space<vmem>>, vector<32x1024xf32>
    %dot_general3A = arith.constant dense<0.000000e+00> : vector<1x1024xf32>
    %dot_general3A_5 = tpu.matmul %broadcast_in_dim3A_2, %get3A_4, %dot_general3A {dimension_numbers = #tpu.dot_dimension_numbers<[1], [0], [0], [1], [0, 0, 1, 1], [], []>, transpose_lhs_hint = false} : vector<1x32xf32>, vector<32x1024xf32>, vector<1x1024xf32> -> vector<1x1024xf32>
    %iota3A = tpu.iota {dimensions = array<i32: 1>} : vector<1x1024xi32>
    %lt3A = arith.constant 1000 : i32
    %lt3A_6 = vector.broadcast %lt3A : i32 to vector<1x1024xi32>
    %lt3A_7 = arith.cmpi slt, %iota3A, %lt3A_6 : vector<1x1024xi32>
    %jit3A = arith.constant 0.000000e+00 : f32
    %broadcast_in_dim3A_8 = vector.broadcast %jit3A : f32 to vector<1x1024xf32>
    %select_n3A = arith.select %lt3A_7, %dot_general3A_5, %broadcast_in_dim3A_8 : vector<1x1024xi1>, vector<1x1024xf32>
    %reduce_max3A = vector.shape_cast %select_n3A : vector<1x1024xf32> to vector<1x1x1024xf32>
    %reduce_max3A_9 = arith.constant dense<0xFF800000> : vector<1xf32>
    %reduce_max3A_10 = vector.multi_reduction <maximumf>, %reduce_max3A, %reduce_max3A_9 [1, 2] : vector<1x1x1024xf32> to vector<1xf32>
    %reduce_max3A_11 = vector.shape_cast %reduce_max3A_10 : vector<1xf32> to vector<1x1x1xf32>
    %reduce_max3A_12 = vector.extract %reduce_max3A_11[0, 0, 0] : f32 from vector<1x1x1xf32>
    %max3A = arith.constant 1.000000e+00 : f32
    %max3A_13 = arith.maximumf %reduce_max3A_12, %max3A : f32
    %mul3A = arith.constant 2.000000e+00 : f32
    %mul3A_14 = arith.mulf %mul3A, %max3A_13 : f32
    %get3A_15 = arith.constant 0 : index
    %get3A_16 = arith.constant 0 : index
    %get3A_17 = vector.load %arg4[%get3A_15, %get3A_16] : memref<1x2048xi32, #tpu.memory_space<vmem>>, vector<1x2048xi32>
    %iota3A_18 = tpu.iota {dimensions = array<i32: 0>} : vector<1024x2048xi32>
    %eq3A_19 = vector.broadcast %get3A_17 : vector<1x2048xi32> to vector<1024x2048xi32>
    %eq3A_20 = arith.cmpi eq, %iota3A_18, %eq3A_19 : vector<1024x2048xi32>
    %jit3A_21 = arith.constant 1.000000e+00 : f32
    %jit3A_22 = arith.constant 0.000000e+00 : f32
    %broadcast_in_dim3A_23 = vector.broadcast %jit3A_21 : f32 to vector<1024x2048xf32>
    %broadcast_in_dim3A_24 = vector.broadcast %jit3A_22 : f32 to vector<1024x2048xf32>
    %select_n3A_25 = arith.select %eq3A_20, %broadcast_in_dim3A_23, %broadcast_in_dim3A_24 : vector<1024x2048xi1>, vector<1024x2048xf32>
    %dot_general3A_26 = arith.constant dense<0.000000e+00> : vector<1x2048xf32>
    %dot_general3A_27 = tpu.matmul %dot_general3A_5, %select_n3A_25, %dot_general3A_26 {dimension_numbers = #tpu.dot_dimension_numbers<[1], [0], [0], [1], [0, 0, 1, 1], [], []>, transpose_lhs_hint = false} : vector<1x1024xf32>, vector<1024x2048xf32>, vector<1x2048xf32> -> vector<1x2048xf32>
    %get3A_28 = arith.constant 0 : index
    %get3A_29 = arith.constant 0 : index
    %get3A_30 = vector.load %arg3[%get3A_28, %get3A_29] : memref<1x2048xf32, #tpu.memory_space<vmem>>, vector<1x2048xf32>
    %sub3A = vector.broadcast %mul3A_14 : f32 to vector<1x2048xf32>
    %sub3A_31 = arith.subf %sub3A, %dot_general3A_27 : vector<1x2048xf32>
    %mul3A_32 = arith.mulf %get3A_30, %sub3A_31 : vector<1x2048xf32>
    %mul3A_33 = arith.constant 1.000000e-03 : f32
    %mul3A_34 = vector.broadcast %mul3A_33 : f32 to vector<1x2048xf32>
    %mul3A_35 = arith.mulf %mul3A_34, %dot_general3A_27 : vector<1x2048xf32>
    %gt3A = arith.cmpf ogt, %mul3A_32, %mul3A_35 : vector<1x2048xf32>
    %get3A_36 = arith.constant 0 : index
    %get3A_37 = arith.constant 0 : index
    %get3A_38 = vector.load %arg2[%get3A_36, %get3A_37] : memref<1x2048xf32, #tpu.memory_space<vmem>>, vector<1x2048xf32>
    %jit3A_39 = arith.constant 0.000000e+00 : f32
    %broadcast_in_dim3A_40 = vector.broadcast %jit3A_39 : f32 to vector<1x2048xf32>
    %select_n3A_41 = arith.select %gt3A, %get3A_38, %broadcast_in_dim3A_40 : vector<1x2048xi1>, vector<1x2048xf32>
    %reduce_sum3A = vector.shape_cast %select_n3A_41 : vector<1x2048xf32> to vector<1x1x2048xf32>
    %reduce_sum3A_42 = arith.constant dense<0.000000e+00> : vector<1xf32>
    %reduce_sum3A_43 = vector.multi_reduction <add>, %reduce_sum3A, %reduce_sum3A_42 [1, 2] : vector<1x1x2048xf32> to vector<1xf32>
    %reduce_sum3A_44 = vector.shape_cast %reduce_sum3A_43 : vector<1xf32> to vector<1x1x1xf32>
    %reduce_sum3A_45 = vector.extract %reduce_sum3A_44[0, 0, 0] : f32 from vector<1x1x1xf32>
    %get3A_46 = arith.constant 0 : index
    %get3A_47 = arith.constant 0 : index
    %get3A_48 = memref.load %arg5[%get3A_46, %get3A_47] : memref<1x1xf32, #tpu.memory_space<smem>>
    %mul3A_49 = arith.constant 6.10351563E-5 : f32
    %mul3A_50 = arith.mulf %reduce_sum3A_45, %mul3A_49 : f32
    %add3A = arith.addf %get3A_48, %mul3A_50 : f32
    %swap3A = arith.constant 0 : index
    %swap3A_51 = arith.constant 0 : index
    %swap3A_52 = memref.load %arg5[%swap3A, %swap3A_51] : memref<1x1xf32, #tpu.memory_space<smem>>
    memref.store %add3A, %arg5[%swap3A, %swap3A_51] : memref<1x1xf32, #tpu.memory_space<smem>>
    return
  }
  func.func @transform_0(%arg0: i32) -> (i32, i32) {
    %c0_i32 = arith.constant 0 : i32
    %c0_i32_0 = arith.constant 0 : i32
    %c0_i32_1 = arith.constant 0 : i32
    return %c0_i32, %c0_i32_0 : i32, i32
  }
  func.func @transform_1(%arg0: i32) -> (i32, i32) {
    %c0_i32 = arith.constant 0 : i32
    %c0_i32_0 = arith.constant 0 : i32
    return %c0_i32, %arg0 : i32, i32
  }
  func.func @transform_2(%arg0: i32) -> (i32, i32) {
    %c0_i32 = arith.constant 0 : i32
    %c0_i32_0 = arith.constant 0 : i32
    return %c0_i32, %arg0 : i32, i32
  }
  func.func @transform_3(%arg0: i32) -> (i32, i32) {
    %c0_i32 = arith.constant 0 : i32
    %c0_i32_0 = arith.constant 0 : i32
    return %c0_i32, %arg0 : i32, i32
  }
  func.func @transform_4(%arg0: i32) -> (i32, i32) {
    %c0_i32 = arith.constant 0 : i32
    %c0_i32_0 = arith.constant 0 : i32
    %c0_i32_1 = arith.constant 0 : i32
    return %c0_i32, %c0_i32_0 : i32, i32
  }
}

</mosaic_0001>

<sc_bundles>
// kernel: kernel.5.cloned.1.call-start
scs
__scs_entry_jumppad:
0x0: {  	(pc) =	sbr.rel $0x88, $3  }
0x1: {  	(tag) =	ssettag $0x0;
	lr =	simm.s32 $0x1  }
0x2: {  	[smem:$0x3F9E] =	sst lr;
	_ =	strace $0xD0000000  }
0x3: {  	_ = 	snop  }
0x4: {  	_ = 	snop  }
0x5: {  	_ = 	snop  }
0x6: {  	_ = 	snop  }
0x7: {  	_ = 	snop  }
__scs_overlays_trampoline_lowered:
0x8: {  	[smem:$0x3FAD] =	sst s0  }
0x9: {  	[smem:$0x3FAE] =	sst s1  }
0xa: {  	[smem:$0x3FAF] =	sst s2  }
0xb: {  	[smem:$0x3FB0] =	sst s3  }
0xc: {  	[smem:$0x3FB1] =	sst s4  }
0xd: {  	[smem:$0x3FB2] =	sst s5  }
0xe: {  	[smem:$0x3FB3] =	sst s6  }
0xf: {  	[smem:$0x3FB4] =	sst s7  }
0x10: {  	[smem:$0x3FB5] =	sst s8  }
0x11: {  	[smem:$0x3FB6] =	sst s9;
	s0 =	simm.s32 @!p0 $0x0  }
0x12: {  	s1 =	sld [smem:$0x3F9C];
	s0 =	simm.s32 @p0 $0x1  }
0x13: {  	[smem:$0x3FB7] =	sst s0;
	s0 =	simm.s32 @!p1 $0x0  }
0x14: {  	s2 =	sld [smem:$0x3F9B];
	s0 =	simm.s32 @p1 $0x1  }
0x15: {  	[smem:$0x3FB8] =	sst s0;
	s0 =	simm.s32 @!p2 $0x0  }
0x16: {  	s3 =	sld [smem:$0x3FDB];
	s0 =	simm.s32 @p2 $0x1  }
0x17: {  	s4 =	simm.s32 $0x1BF5;
	[smem:$0x3FBA] =	sst s0  }
0x18: {  	s0 =	sld [smem:$0x3F9D];
	_ =	swait.ge [sflag:s4], $0x0  }
0x19: {  	s7 =	sld [smem:$0x3F9E]  }
0x1a: {  	s8 =	sadd.s32 $0xFFFFE003, lr  }
0x1b: {  	s9 =	sadd.s32 $0xFFFFFEF7, lr;
	s5 =	simm.s32 $0xFFFFFFFF;
	p2 =	slt.u32 s8, $0xFFFFF086  }
0x1c: {  	p1 =	slt.u32 s9, $0xF7A;
	s5 =	simm.s32 @!p2 $0x0  }
0x1d: {  	s5 =	simm.s32 @p1 $0x1;
	p0 =	seq.s32 s7, s2  }
0x1e: {  	s7 =	smul.u32 @!p0 $0xF7A, s2;
	p2 =	seq.s32 @!p0 s5, $0x0  }
0x1f: {  	s9 =	smul.u32 $0xF7A, s1;
	s8 =	simm.s32 @!p0 $0x1BF5;
	p2 =	por !p2, p0  }
0x20: {  	[sflag:s8] =	ssyncset.s32 @!p0 $0xFFFFF086;
	s6 =	sadd.s32 @!p0 s3, s7;
	s7 =	simm.s32 @!p0 $0x108  }
0x21: {  	s3 =	sadd.s32 s3, s9;
	s6 =	sadd.s32 @!p0 $0x88, s6;
	s7 =	simm.s32 @p2 $0x1082  }
0x22: {  	[simem:s7], [sflag:s8] =	dma.local @!p0 [hbm:s6], $0xF7A  }
0x23: {  	s9 =	sor.u32 $0xD0000000, s2;
	s6 =	simm.s32 $0x108;
	_ =	swait.ge @!p0 [sflag:s8], $0x0  }
0x24: {  	s3 =	sadd.s32 $0x88, s3;
	s6 =	simm.s32 @!p1 $0x1082;
	[sflag:s4] =	ssyncset.s32 $0xFFFFF086  }
0x25: {  	[simem:s6], [sflag:s4] =	dma.local [hbm:s3], $0xF7A  }
0x26: {  	[smem:$0x3F9E] =	sst s1;
	(tag) =	ssettag s2;
	_ =	strace s9  }
0x27: {  	s1 =	sld [smem:$0x3FAE]  }
0x28: {  	s2 =	sld [smem:$0x3FAF]  }
0x29: {  	s4 =	sld [smem:$0x3FB1]  }
0x2a: {  	p0 =	seq.s32 s5, $0x0;
	s5 =	sld [smem:$0x3FB2]  }
0x2b: {  	s6 =	sld [smem:$0x3FB3]  }
0x2c: {  	s7 =	sld [smem:$0x3FB4]  }
0x2d: {  	s3 =	simm.s32 $0x108;
	s8 =	sld [smem:$0x3FB5]  }
0x2e: {  	s3 =	simm.s32 @!p0 $0x1082;
	s9 =	sld [smem:$0x3FB6]  }
0x2f: {  	lr =	sadd.s32 s0, s3;
	s0 =	sld [smem:$0x3FAD]  }
0x30: {  	s3 =	sld [smem:$0x3FB0]  }
0x31: {  	[smem:$0x3FB9] =	sst s10  }
0x32: {  	s10 =	sld [smem:$0x3FB7];
	_ =	sdelay $0x3  }
0x33: {  	p0 =	seq.s32 s10, $0x1;
	s10 =	sld [smem:$0x3FB9];
	_ =	sdelay $0x3  }
0x34: {  	[smem:$0x3FB9] =	sst s10  }
0x35: {  	s10 =	sld [smem:$0x3FB8];
	_ =	sdelay $0x3  }
0x36: {  	p1 =	seq.s32 s10, $0x1;
	s10 =	sld [smem:$0x3FB9];
	_ =	sdelay $0x3  }
0x37: {  	[smem:$0x3FB9] =	sst s10  }
0x38: {  	s10 =	sld [smem:$0x3FBA]  }
0x39: {  	_ = 	snop;
	(pc) =	sbr.ind lr, $3  }
0x3a: {  	_ = 	snop  }
0x3b: {  	_ = 	snop  }
0x3c: {  	p2 =	seq.s32 s10, $0x1;
	s10 =	sld [smem:$0x3FB9]  }
0x3d: {  	_ =	shalt  }
0x3e: {  	_ =	shalt  }
0x3f: {  	_ =	shalt  }
0x40: {  	_ =	shalt  }
0x41: {  	_ =	shalt  }
0x42: {  	_ =	shalt  }
0x43: {  	_ =	shalt  }
0x44: {  	_ =	shalt  }
0x45: {  	_ =	shalt  }
0x46: {  	_ =	shalt  }
0x47: {  	_ =	shalt  }
0x48: {  	_ =	shalt  }
0x49: {  	_ =	shalt  }
0x4a: {  	_ =	shalt  }
0x4b: {  	_ =	shalt  }
0x4c: {  	_ =	shalt  }
0x4d: {  	_ =	shalt  }
0x4e: {  	_ =	shalt  }
0x4f: {  	_ =	shalt  }
0x50: {  	_ =	shalt  }
0x51: {  	_ =	shalt  }
0x52: {  	_ =	shalt  }
0x53: {  	_ =	shalt  }
0x54: {  	_ =	shalt  }
0x55: {  	_ =	shalt  }
0x56: {  	_ =	shalt  }
0x57: {  	_ =	shalt  }
0x58: {  	_ =	shalt  }
0x59: {  	_ =	shalt  }
0x5a: {  	_ =	shalt  }
0x5b: {  	_ =	shalt  }
0x5c: {  	_ =	shalt  }
0x5d: {  	_ =	shalt  }
0x5e: {  	_ =	shalt  }
0x5f: {  	_ =	shalt  }
0x60: {  	_ =	shalt  }
0x61: {  	_ =	shalt  }
0x62: {  	_ =	shalt  }
0x63: {  	_ =	shalt  }
0x64: {  	_ =	shalt  }
0x65: {  	_ =	shalt  }
0x66: {  	_ =	shalt  }
0x67: {  	_ =	shalt  }
0x68: {  	_ =	shalt  }
0x69: {  	_ =	shalt  }
0x6a: {  	_ =	shalt  }
0x6b: {  	_ =	shalt  }
0x6c: {  	_ =	shalt  }
0x6d: {  	_ =	shalt  }
0x6e: {  	_ =	shalt  }
0x6f: {  	_ =	shalt  }
0x70: {  	_ =	shalt  }
0x71: {  	_ =	shalt  }
0x72: {  	_ =	shalt  }
0x73: {  	_ =	shalt  }
0x74: {  	_ =	shalt  }
0x75: {  	_ =	shalt  }
0x76: {  	_ =	shalt  }
0x77: {  	_ =	shalt  }
0x78: {  	_ =	shalt  }
0x79: {  	_ =	shalt  }
0x7a: {  	_ =	shalt  }
0x7b: {  	_ =	shalt  }
0x7c: {  	_ =	shalt  }
0x7d: {  	_ =	shalt  }
0x7e: {  	_ =	shalt  }
0x7f: {  	_ =	shalt  }
0x80: {  	_ =	shalt  }
0x81: {  	_ =	shalt  }
0x82: {  	_ =	shalt  }
0x83: {  	_ =	shalt  }
0x84: {  	_ =	shalt  }
0x85: {  	_ =	shalt  }
0x86: {  	_ =	shalt  }
0x87: {  	_ =	shalt  }
.Lfunc_end0:
.L_simem_size_0:
called_computation_lowered:
.L_overlay_start_0:
0x88: {  	s2 =	sld [smem:$0x3FD9]  }
0x89: {  	s3 =	sld [smem:$0x3FFE];
	_ =	sdelay $0x1  }
0x8a: {  	s1 =	srdreg.scid  }
0x8b: {  	s0 =	sand.u32 $0x1, s1  }
0x8c: {  	s17 =	sshll.u32 s0, $0xA;
	s2 =	sadd.s32 s3, s2  }
0x8d: {  	s2 =	sadd.s32 s2, s17  }
0x8e: {  	[smem:$0x3FC5] =	sst s2  }
0x8f: {  	_ = 	snop  }
0x90: {  	s2 =	sld [smem:$0x3FC7];
	(tm) =	ssettm $0x1  }
0x91: {  	s18 =	sld [smem:$0x3FFB];
	_ =	sdelay $0x3  }
0x92: {  	_ =	strace s18  }
0x93: {  	s3 =	sld [smem:$0x3FFC];
	_ =	sdelay $0x3  }
0x94: {  	_ =	strace s3  }
0x95: {  	s3 =	sld [smem:$0x3FFD];
	_ =	sdelay $0x3  }
0x96: {  	_ =	strace s3  }
0x97: {  	_ =	strace $0x8FFFFFFF  }
0x98: {  	s19 =	sld [smem:$0x3FDB];
	_ =	sdelay $0x1  }
0x99: {  	s4 =	simm.s32 $_scs_section_size  }
0x9a: {  	s5 =	simm.s32 $_size__tile_overlayer_lowered;
	s6 =	simm.s32 $_tile_overlayer_lowered  }
0x9b: {  	s22 =	simm.s32 $0x1BFF;
	s21 =	sshll.u32 s6, $0x1;
	s3 =	sadd.s32 s4, s19  }
0x9c: {  	s7 =	simm.s32 $0x0;
	s20 =	sshll.u32 s5, $0x1;
	s5 =	sadd.s32 s21, s3  }
0x9d: {  	[timem:s7], [sflag:s22] =	dma.local [hbm:s5], s20  }
0x9e: {  	_ =	swait.ge [sflag:s22], s20  }
0x9f: {  	s4 =	ssub.s32 $0x0, s20;
	[sflag:s22] =	ssyncset.done $0x0  }
0xa0: {  	[sflag:s22] =	ssyncadd.s32 s4;
	_ =	sdelay $0x1  }
0xa1: {  	s23 =	simm.s32 $0x1B8B  }
0xa2: {  	_ =	swait.ge [sflag:s23], $0x1  }
0xa3: {  	[sflag:s23] =	ssyncset.done $0x0  }
0xa4: {  	s25 =	simm.s32 $0x1B8E;
	s24 =	sld [smem:$0x3FFE];
	[sflag:s23] =	ssyncadd.s32 $0xFFFFFFFF  }
0xa5: {  	s26 =	simm.s32 $execute0_lowered;
	[smem:$0x3FD2] =	sst s25  }
0xa6: {  	s5 =	sshll.u32 s26, $0x1;
	_ =	strace $0x80000046;
	[dreg:$0x1] =	wrdreg $0xFFFFFFFF  }
0xa7: {  	s28 =	simm.s32 $_size_execute0_lowered;
	s3 =	sadd.s32 s3, s5;
	[dreg:$0x0] =	wrdreg $0x0  }
0xa8: {  	s5 =	sshll.u32 s28, $0x1;
	[dreg:$0x2] =	wrdreg s3  }
0xa9: {  	[dreg:$0x3] =	wrdreg s5  }
0xaa: {  	[dreg:$0x4] =	wrdreg $0xC0  }
0xab: {  	_ =	task [dreg:s7], $0x5FFFF  }
0xac: {  	[dreg:$0x1] =	wrdreg $0xFFFFFFFF  }
0xad: {  	[dreg:$0x0] =	wrdreg $0x60  }
0xae: {  	[dreg:$0x2] =	wrdreg s2  }
0xaf: {  	[dreg:$0x3] =	wrdreg s24  }
0xb0: {  	[dreg:$0x4] =	wrdreg $0x9  }
0xb1: {  	_ =	task.clear_ibuf [dreg:s7], $0x5FFFF;
	_ =	strace $0x90000046  }
0xb2: {  	s29 =	simm.s32 $0x9;
	_ =	strace $0x80000048  }
0xb3: {  	_ =	swait.ge [sflag:s29], $0x1  }
0xb4: {  	[sflag:s29] =	ssyncadd.s32 $0xFFFFFFFF  }
0xb5: {  	_ =	strace $0x90000048  }
0xb6: {  	_ =	sfence  }
0xb7: {  	s30 =	sld [smem:$0x0];
	_ =	sdelay $0x2  }
0xb8: {  	s31 =	sshll.u32 s1, $0xD;
	s1 =	sshrl.u32 s1, $0x2  }
0xb9: {  	s3 =	sand.u32 $0x4000, s31;
	s1 =	sadd.s32 s1, s30  }
0xba: {  	s0 =	sor.u32 s3, s0;
	s1 =	sshll.u32 s1, $0x11  }
0xbb: {  	s0 =	sor.u32 s1, s0  }
0xbc: {  	s0 =	sadd.s32 $0x8F2B, s0  }
0xbd: {  	[sflag:s0] =	ssyncadd.remote.s32 $0x1  }
0xbe: {  	_ =	sfence.sel $0xFFFF  }
0xbf: {  	[dreg:$0x0] =	wrdreg $0xFFFFFFFF;
	(pc) =	sbr.abs _section_cstart, $3  }
0xc0: {  	[dreg:$0x1] =	wrdreg $0xFFFFFFFF  }
0xc1: {  	_ =	task.clear_ibuf [dreg:s7], $0x2FFFF;
	_ =	strace $0x9FFFFFFF  }
0xc2: {  	(tm) =	ssettm $0x7FFFFFFF  }
0xc3: {  	_ =	shalt  }
tec
execute0_lowered:
.L_overlay_start_1:
0x0: {  	(tag) =	ssettag $0x1  }
0x1: {  	s4 =	rddreg [dreg:$0x0]  }
0x2: {  	s3 =	rddreg [dreg:$0x1]  }
0x3: {  	s0 =	rddreg [dreg:$0x2];
	s2 =	simm.s32 $0x0;
	s1 =	stileid.u32  }
0x4: {  	s5 =	srdreg.scid;
	s11 =	simm.s32 $0xBA80;
	s12 =	simm.s32 $0x0  }
0x5: {  	[smem:$0x7FF] =	sst s2;
	s6 =	sshll.u32 s1, $0x8;
	s5 =	sand.u32 $0x1, s5  }
0x6: {  	s7 =	sshll.u32 s1, $0x1;
	_ =	strace $0x80000047;
	s8 =	ssub.s32 $0x2, s5  }
0x7: {  	s6 =	sand.u32 $0xC00, s6;
	s7 =	sor.u32 s5, s7;
	s30 =	sshrl.u32 s8, $0x1  }
0x8: {  	s9 =	smul.u32 $0xF42, s7;
	s10 =	sshll.u32 s7, $0x4;
	s6 =	sadd.s32 s6, s3  }
0x9: {  	p0 =	sne.s32 s7, $0x0;
	s7 =	simm.s32 $0x1;
	s8 =	ssub.s32 s8, s30  }
0xa: {  	s31 =	sand.u32 $0x70, s10;
	s10 =	simm.s32 $0x400;
	s3 =	sadd.s32 s4, s9  }
0xb: {  	v1 =	vlaneseq.u32;
	s4 =	sadd.s32 $0x1E840, s4;
	s5 =	sadd.s32 s31, s6;
	s6 =	smax.u32 s8, $0x1  }
0xc: {  	v0 =	vimm.f32 $0.0e+00;
	v2 =	vimm.f32 $1.000000000e+00;
	v1 =	vmul.u32 $0x400, v1;
	s8 =	simm.s32 $0x7A80;
	s9 =	simm.s32 $0x80;
	s5 =	sadd.s32 $0xE00, s5  }
.LBB2_1:
0xd: {  	[tilespmem:s2], [sflag:$0x1] =	stream.linear.gather [hbm4b:s3+s2], $0x7A10, $0x38;
	[tilespmem:$0xBE80] =	vst v63  }
0xe: {  	_ =	swait.ge [sflag:s7], $0x7A10  }
0xf: {  	[sflag:s7] =	ssyncset.done $0x0  }
0x10: {  	s13 =	simm.s32 @!p0 $0x0;
	s14 =	simm.s32 @!p0 $0x7A10;
	[sflag:s7] =	ssyncadd.s32 $0xFFFF85F0  }
0x11: {  	[tilespmem:s14], [sflag:$0x1] =	stream.linear.gather @!p0 [hbm4b:s4+s13], $0x40, $0x38;
	[tilespmem:$0xBE80] =	vst v63  }
0x12: {  	s13 =	simm.s32 @!p0 $0x1  }
0x13: {  	_ =	swait.ge @!p0 [sflag:s13], $0x40  }
0x14: {  	[sflag:s13] =	ssyncset.done @!p0 $0x0  }
0x15: {  	[sflag:s13] =	ssyncadd.s32 @!p0 $0xFFFFFFC0;
	s13 =	simm.s32 $0x0  }
.LBB2_2:
0x16: {  	p1 =	sne.s32 s13, $0xFFC0  }
.Ltmp0:
0x17: {  	_ = 	snop;
	(pc) =	sbr.rel @p1 .LBB2_2-.Ltmp0, $3  }
0x18: {  	_ =	sdelay $0x1  }
0x19: {  	s14 =	sshra.s32 s13, $0x2  }
0x1a: {  	s13 =	sadd.s32 $0x40, s13;
	[tilespmem:s14+$0x7A80] =	vst v0  }
0x1b: {  	s14 =	simm.s32 $0x0;
	s13 =	simm.s32 $0x40  }
.LBB2_4:
0x1c: {  	p1 =	sne.s32 s13, $0x1E800;
	v3 =	vld [tilespmem:s14+$0x0];
	_ =	sdelay $0x4  }
0x1d: {  	vm0 =	vgt.s32 v3, $0x0  }
0x1e: {  	v3 =	vnsel vm0, $0x0, v3  }
0x1f: {  	v3 =	vmin.u32 v3, $0x3FF  }
0x20: {  	v3 =	vor.u32 v1, v3  }
.Ltmp1:
0x21: {  	(pc) =	sbr.rel @p1 .LBB2_4-.Ltmp1, $2  }
0x22: {  	_ =	sdelay $0x2  }
0x23: {  	s14 =	sshra.s32 s13, $0x2;
	s13 =	sadd.s32 $0x40, s13;
	[tilespmem:v3+s8+$0x0] =	vst.idx.add.f32.msk $0xffff, v2  }
0x24: {  	v3 =	vld [tilespmem:s14+$0x0];
	_ =	sdelay $0x4  }
0x25: {  	vm0 =	vgt.s32 v3, $0x0  }
0x26: {  	v3 =	vnsel vm0, $0x0, v3  }
0x27: {  	v3 =	vmin.u32 v3, $0x3FF  }
0x28: {  	v3 =	vor.u32 v1, v3;
	_ =	sdelay $0x4  }
0x29: {  	[tilespmem:v3+s8+$0x0] =	vst.idx.add.f32.msk $0xffff, v2  }
0x2a: {  	v3 =	vld @!p0 [tilespmem:$0x7A10];
	_ =	sdelay $0x4  }
0x2b: {  	v4 =	vlaneseq.u32 @!p0;
	vm0 =	vgt.s32 @!p0 v3, $0x0  }
0x2c: {  	v4 =	vmul.u32 @!p0 $0x400, v4;
	v3 =	vnsel @!p0 vm0, $0x0, v3  }
0x2d: {  	v3 =	vmin.u32 @!p0 v3, $0x3FF  }
0x2e: {  	v3 =	vor.u32 @!p0 v4, v3;
	_ =	sdelay $0x3  }
0x2f: {  	v5 =	vimm.f32 @!p0 $1.000000000e+00;
	s13 =	simm.s32 @!p0 $0x7A80  }
0x30: {  	[tilespmem:v3+s13+$0x0] =	vst.idx.add.f32.msk @!p0 $0xffff, v5  }
0x31: {  	v3 =	vld @!p0 [tilespmem:$0x7A20];
	_ =	sdelay $0x4  }
0x32: {  	vm0 =	vgt.s32 @!p0 v3, $0x0  }
0x33: {  	v3 =	vnsel @!p0 vm0, $0x0, v3  }
0x34: {  	v3 =	vmin.u32 @!p0 v3, $0x3FF  }
0x35: {  	v3 =	vor.u32 @!p0 v4, v3;
	_ =	sdelay $0x4  }
0x36: {  	[tilespmem:v3+s13+$0x0] =	vst.idx.add.f32.msk @!p0 $0xffff, v5  }
0x37: {  	v3 =	vld @!p0 [tilespmem:$0x7A30];
	_ =	sdelay $0x4  }
0x38: {  	vm0 =	vgt.s32 @!p0 v3, $0x0  }
0x39: {  	v3 =	vnsel @!p0 vm0, $0x0, v3  }
0x3a: {  	v3 =	vmin.u32 @!p0 v3, $0x3FF  }
0x3b: {  	v3 =	vor.u32 @!p0 v4, v3;
	_ =	sdelay $0x4  }
0x3c: {  	[tilespmem:v3+s13+$0x0] =	vst.idx.add.f32.msk @!p0 $0xffff, v5  }
0x3d: {  	v3 =	vld @!p0 [tilespmem:$0x7A40];
	_ =	sdelay $0x4  }
0x3e: {  	vm0 =	vgt.s32 @!p0 v3, $0x0  }
0x3f: {  	v3 =	vnsel @!p0 vm0, $0x0, v3  }
0x40: {  	v3 =	vmin.u32 @!p0 v3, $0x3FF  }
0x41: {  	v3 =	vor.u32 @!p0 v4, v3;
	_ =	sdelay $0x4  }
0x42: {  	s29 =	simm.s32 $0x7A80;
	[tilespmem:v3+s13+$0x0] =	vst.idx.add.f32.msk @!p0 $0xffff, v5  }
0x43: {  	s30 =	simm.s32 $0x0;
	v3 =	vld [tilespmem:s29+$0x0]  }
0x44: {  	s31 =	sand.u32 $0x3F0, s30  }
0x45: {  	v4 =	vld [tilespmem:s31+$0x7E80];
	_ =	sdelay $0x1  }
0x46: {  	v5 =	vld [tilespmem:s31+$0x8280]  }
0x47: {  	v3 =	vadd.f32 $0.0e+00, v3  }
0x48: {  	v6 =	vld [tilespmem:s31+$0x8680]  }
0x49: {  	v3 =	vadd.f32 v4, v3  }
0x4a: {  	v4 =	vld [tilespmem:s31+$0x8A80]  }
0x4b: {  	v3 =	vadd.f32 v5, v3  }
0x4c: {  	v5 =	vld [tilespmem:s31+$0x8E80]  }
0x4d: {  	v3 =	vadd.f32 v6, v3  }
0x4e: {  	v60 =	vld [tilespmem:s31+$0x9280]  }
0x4f: {  	v3 =	vadd.f32 v4, v3  }
0x50: {  	v4 =	vld [tilespmem:s31+$0x9680]  }
0x51: {  	v3 =	vadd.f32 v5, v3  }
0x52: {  	v5 =	vld [tilespmem:s31+$0x9A80]  }
0x53: {  	v3 =	vadd.f32 v60, v3  }
0x54: {  	v61 =	vld [tilespmem:s31+$0x9E80]  }
0x55: {  	v3 =	vadd.f32 v4, v3  }
0x56: {  	v4 =	vld [tilespmem:s31+$0xA280]  }
0x57: {  	v3 =	vadd.f32 v5, v3  }
0x58: {  	v5 =	vld [tilespmem:s31+$0xA680]  }
0x59: {  	v3 =	vadd.f32 v61, v3  }
0x5a: {  	v62 =	vld [tilespmem:s31+$0xAA80]  }
0x5b: {  	v3 =	vadd.f32 v4, v3  }
0x5c: {  	v4 =	vld [tilespmem:s31+$0xAE80]  }
0x5d: {  	v3 =	vadd.f32 v5, v3  }
0x5e: {  	v5 =	vld [tilespmem:s31+$0xB280]  }
0x5f: {  	v3 =	vadd.f32 v62, v3  }
0x60: {  	v63 =	vld [tilespmem:s31+$0xB680]  }
0x61: {  	v3 =	vadd.f32 v4, v3;
	_ =	sdelay $0x1  }
0x62: {  	v3 =	vadd.f32 v5, v3;
	_ =	sdelay $0x1  }
0x63: {  	v3 =	vadd.f32 v63, v3  }
0x64: {  	s13 =	simm.s32 $0xBA80  }
0x65: {  	s14 =	simm.s32 $0x7A90;
	[tilespmem:s13+$0x0] =	vst v3  }
0x66: {  	s15 =	simm.s32 $0x10;
	s16 =	simm.s32 $0x20;
	v3 =	vld [tilespmem:s14+$0x0]  }
.LBB2_6:
0x67: {  	p1 =	sne.s32 s16, $0x3F0;
	s17 =	sand.u32 $0x3F0, s15;
	s15 =	smov.u32 s16  }
0x68: {  	v4 =	vld [tilespmem:s17+$0x7E80];
	_ =	sdelay $0x1  }
0x69: {  	v5 =	vld [tilespmem:s17+$0x8280]  }
0x6a: {  	v3 =	vadd.f32 $0.0e+00, v3  }
0x6b: {  	v6 =	vld [tilespmem:s17+$0x8680]  }
0x6c: {  	v3 =	vadd.f32 v4, v3  }
0x6d: {  	v4 =	vld [tilespmem:s17+$0x8A80]  }
0x6e: {  	v3 =	vadd.f32 v5, v3  }
0x6f: {  	v5 =	vld [tilespmem:s17+$0x8E80]  }
0x70: {  	v3 =	vadd.f32 v6, v3  }
0x71: {  	v6 =	vld [tilespmem:s17+$0x9280]  }
0x72: {  	v3 =	vadd.f32 v4, v3  }
0x73: {  	v4 =	vld [tilespmem:s17+$0x9680]  }
0x74: {  	v3 =	vadd.f32 v5, v3  }
0x75: {  	v5 =	vld [tilespmem:s17+$0x9A80]  }
0x76: {  	v3 =	vadd.f32 v6, v3  }
0x77: {  	v6 =	vld [tilespmem:s17+$0x9E80]  }
0x78: {  	v3 =	vadd.f32 v4, v3  }
0x79: {  	v4 =	vld [tilespmem:s17+$0xA280]  }
0x7a: {  	v3 =	vadd.f32 v5, v3  }
0x7b: {  	v5 =	vld [tilespmem:s17+$0xA680]  }
0x7c: {  	v3 =	vadd.f32 v6, v3  }
0x7d: {  	v6 =	vld [tilespmem:s17+$0xAA80]  }
0x7e: {  	v3 =	vadd.f32 v4, v3  }
0x7f: {  	v4 =	vld [tilespmem:s17+$0xAE80]  }
0x80: {  	v3 =	vadd.f32 v5, v3  }
0x81: {  	v5 =	vld [tilespmem:s17+$0xB280]  }
0x82: {  	v3 =	vadd.f32 v6, v3  }
0x83: {  	v6 =	vld [tilespmem:s17+$0xB680]  }
0x84: {  	v3 =	vadd.f32 v4, v3;
	_ =	sdelay $0x1  }
0x85: {  	v3 =	vadd.f32 v5, v3  }
.Ltmp2:
0x86: {  	(pc) =	sbr.rel @p1 .LBB2_6-.Ltmp2, $4  }
0x87: {  	v3 =	vadd.f32 v6, v3  }
0x88: {  	s13 =	sadd.s32 $0x10, s13  }
0x89: {  	s14 =	sadd.s32 $0x10, s14;
	[tilespmem:s13+$0x0] =	vst v3  }
0x8a: {  	s16 =	sadd.s32 $0x10, s16;
	v3 =	vld [tilespmem:s14+$0x0]  }
0x8b: {  	s14 =	sand.u32 $0x3F0, s15  }
0x8c: {  	v4 =	vld [tilespmem:s14+$0x7E80];
	_ =	sdelay $0x1  }
0x8d: {  	v5 =	vld [tilespmem:s14+$0x8280]  }
0x8e: {  	v3 =	vadd.f32 $0.0e+00, v3  }
0x8f: {  	v6 =	vld [tilespmem:s14+$0x8680]  }
0x90: {  	v3 =	vadd.f32 v4, v3  }
0x91: {  	v52 =	vld [tilespmem:s14+$0x8A80]  }
0x92: {  	v3 =	vadd.f32 v5, v3  }
0x93: {  	v53 =	vld [tilespmem:s14+$0x8E80]  }
0x94: {  	v3 =	vadd.f32 v6, v3  }
0x95: {  	v54 =	vld [tilespmem:s14+$0x9280]  }
0x96: {  	v3 =	vadd.f32 v52, v3  }
0x97: {  	v55 =	vld [tilespmem:s14+$0x9680]  }
0x98: {  	v3 =	vadd.f32 v53, v3  }
0x99: {  	v56 =	vld [tilespmem:s14+$0x9A80]  }
0x9a: {  	v3 =	vadd.f32 v54, v3  }
0x9b: {  	v57 =	vld [tilespmem:s14+$0x9E80]  }
0x9c: {  	v3 =	vadd.f32 v55, v3  }
0x9d: {  	v58 =	vld [tilespmem:s14+$0xA280]  }
0x9e: {  	v3 =	vadd.f32 v56, v3  }
0x9f: {  	v59 =	vld [tilespmem:s14+$0xA680]  }
0xa0: {  	v3 =	vadd.f32 v57, v3  }
0xa1: {  	v60 =	vld [tilespmem:s14+$0xAA80]  }
0xa2: {  	v3 =	vadd.f32 v58, v3  }
0xa3: {  	v61 =	vld [tilespmem:s14+$0xAE80]  }
0xa4: {  	v3 =	vadd.f32 v59, v3  }
0xa5: {  	v62 =	vld [tilespmem:s14+$0xB280]  }
0xa6: {  	v3 =	vadd.f32 v60, v3  }
0xa7: {  	v63 =	vld [tilespmem:s14+$0xB680]  }
0xa8: {  	v3 =	vadd.f32 v61, v3;
	_ =	sdelay $0x1  }
0xa9: {  	v3 =	vadd.f32 v62, v3;
	_ =	sdelay $0x1  }
0xaa: {  	s12 =	sadd.s32 $0x1, s12;
	v3 =	vadd.f32 v63, v3  }
0xab: {  	s13 =	sadd.s32 $0x10, s13;
	p1 =	sne.s32 s12, s6  }
.Ltmp3:
0xac: {  	[tilespmem:s13+$0x0] =	vst v3;
	(pc) =	sbr.rel @p1 .LBB2_1-.Ltmp3, $4  }
0xad: {  	[hbm4b:s5+s9] =	stream.strided.scatter [tilespmem:s11], [sflag:$0x1], $0x400, s10, s9, $0x38;
	[tilespmem:$0xBE80] =	vst v63  }
0xae: {  	_ =	swait.ge [sflag:s7], $0x400  }
0xaf: {  	[sflag:s7] =	ssyncset.done $0x0  }
0xb0: {  	[sflag:s7] =	ssyncadd.s32 $0xFFFFFC00  }
0xb1: {  	_ =	sfence.sel $0x180000  }
0xb2: {  	[bflag:$0x0] =	sbarrier.arrive $0xFFFF  }
0xb3: {  	p0 =	sne.s32 s1, $0x0;
	_ =	strace $0x90000047  }
0xb4: {  	s0 =	sadd.s32 @!p0 $0x100000, s0;
	[bflag:$0x2] =	sbarrier.arrive $0xFFFF  }
0xb5: {  	[sflag:s0] =	ssyncadd.tile.s32 @!p0 $0x1;
	_ =	shalt  }
.Lfunc_end2:
_tile_overlayer_lowered:
.L_overlay_start_2:
0xb6: {  	(tag) =	ssettag $0x2  }
0xb7: {  	s0 =	rddreg [dreg:$0x0];
	s2 =	stileid.u32  }
0xb8: {  	s1 =	rddreg [dreg:$0x1];
	p0 =	sne.s32 s2, $0x0  }
0xb9: {  	s3 =	rddreg [dreg:$0x2];
	[bflag:$0x3] =	sbarrier.arrive $0xFFFF;
	s2 =	simm.s32 @!p0 $0x1C01  }
0xba: {  	[timem:s3], [sflag:s2] =	dma.local @!p0 [hbm:s0], s1  }
0xbb: {  	s0 =	simm.s32 @!p0 $0x1  }
0xbc: {  	_ =	swait.ge @!p0 [sflag:s0], s1  }
0xbd: {  	s1 =	ssub.s32 @!p0 $0x0, s1;
	[sflag:s0] =	ssyncset.done @!p0 $0x0  }
0xbe: {  	[sflag:s0] =	ssyncadd.s32 @!p0 s1  }
0xbf: {  	[bflag:$0x3] =	sbarrier.arrive $0xFFFF  }
0xc0: {  	_ =	shalt  }

</sc_bundles>
